<compile_context>
chip_gen: v7x
topology: tpu7x:2x2x1
jax: 0.10.2.dev20260603
libtpu: 0.0.44.dev20260713+nightly
codegen_flags: <defaults>
</compile_context>

<pallas_src>
import functools

import jax
import jax.numpy as jnp
from jax import lax
from jax.experimental import pallas as pl
from jax.experimental.pallas import tpu as pltpu
from jax.experimental.pallas import tpu_sc as plsc

N_IN = 262144
N_OUT = 262144
K = 5
F_IN = 4
F_OUT = 32
KC = K * F_IN

N_TPAD = N_IN + 1024
TOTAL = N_OUT * KC
NC, NS = 2, 16
NW = NC * NS
TOT_W = TOTAL // NW
CHUNK = 16384
GSUB = 256
N_CHUNKS = TOT_W // CHUNK



def _table_body(dr_ref, t_ref, s_ref, out_ref):
    t = t_ref[...]
    s = s_ref[...]
    arg = jnp.zeros_like(t)
    for c in range(F_IN):
        arg += jnp.where(s == c, dr_ref[c], 0.0)
    w = jnp.exp(arg * t)
    bits = lax.bitcast_convert_type(w, jnp.int32)
    packed = (bits & ~3) | (s & 3)
    out_ref[...] = jnp.where(s >= 0, packed, 0)


def _build_table(dr, t_pad, s_pad):
    rows = N_TPAD // 128
    return pl.pallas_call(
        _table_body,
        out_shape=jax.ShapeDtypeStruct((rows, 128), jnp.int32),
        in_specs=[
            pl.BlockSpec(memory_space=pltpu.MemorySpace.SMEM),
            pl.BlockSpec((rows, 128), lambda: (0, 0)),
            pl.BlockSpec((rows, 128), lambda: (0, 0)),
        ],
        out_specs=pl.BlockSpec((rows, 128), lambda: (0, 0)),
    )(dr, t_pad.reshape(rows, 128), s_pad.reshape(rows, 128))



def _gather_body(table_hbm, ids_hbm, out_hbm, idx0, idx1, rows0, rows1,
                 sem_i, sem_g0, sem_g1, sem_o0, sem_o1):
    wid = lax.axis_index("s") * NC + lax.axis_index("c")
    base = wid * TOT_W
    idx = (idx0, idx1)
    rows = (rows0, rows1)
    sem_g = (sem_g0, sem_g1)
    sem_o = (sem_o0, sem_o1)

    pltpu.async_copy(ids_hbm.at[pl.ds(base, CHUNK)], idx0, sem_i)

    def outer(oi, carry):
        for b in range(2):
            ci = oi * 2 + b
            off = base + ci * CHUNK
            pltpu.make_async_copy(ids_hbm.at[pl.ds(0, CHUNK)], idx[b],
                                  sem_i).wait()

            @pl.when(ci >= 2)
            def _rows_free(rb=rows[b], so=sem_o[b]):
                pltpu.make_async_copy(ids_hbm.at[pl.ds(0, CHUNK)], rb,
                                      so).wait()

            def fire(m, c2, ib=idx[b], rb=rows[b], sg=sem_g[b]):
                pltpu.async_copy(
                    table_hbm.at[ib.at[pl.ds(m * GSUB, GSUB)]],
                    rb.at[pl.ds(m * GSUB, GSUB)],
                    sg,
                )
                return c2

            lax.fori_loop(0, CHUNK // GSUB, fire, 0)

            @pl.when(ci >= 1)
            def _finish_prev(pb=rows[1 - b], sg=sem_g[1 - b],
                             so=sem_o[1 - b], poff=off - CHUNK):
                pltpu.make_async_copy(table_hbm.at[pl.ds(0, CHUNK)], pb,
                                      sg).wait()
                pltpu.async_copy(pb, out_hbm.at[pl.ds(poff, CHUNK)], so)

            @pl.when(ci + 1 < N_CHUNKS)
            def _prefetch(off=off, nxt=idx[1 - b]):
                pltpu.async_copy(ids_hbm.at[pl.ds(off + CHUNK, CHUNK)], nxt,
                                 sem_i)
        return carry

    lax.fori_loop(0, N_CHUNKS // 2, outer, 0)

    last = (N_CHUNKS - 1) % 2
    pltpu.make_async_copy(table_hbm.at[pl.ds(0, CHUNK)], rows[last],
                          sem_g[last]).wait()
    pltpu.async_copy(rows[last],
                     out_hbm.at[pl.ds(base + (N_CHUNKS - 1) * CHUNK, CHUNK)],
                     sem_o[last])
    pltpu.make_async_copy(ids_hbm.at[pl.ds(0, CHUNK)], rows0, sem_o0).wait()
    pltpu.make_async_copy(ids_hbm.at[pl.ds(0, CHUNK)], rows1, sem_o1).wait()


@functools.lru_cache(maxsize=None)
def _make_gather():
    return functools.partial(
        pl.kernel,
        mesh=plsc.VectorSubcoreMesh(
            core_axis_name="c", subcore_axis_name="s",
            num_cores=NC, num_subcores=NS,
        ),
        out_type=jax.ShapeDtypeStruct((TOTAL,), jnp.int32),
        scratch_types=[
            pltpu.VMEM((CHUNK,), jnp.int32),
            pltpu.VMEM((CHUNK,), jnp.int32),
            pltpu.VMEM((CHUNK,), jnp.int32),
            pltpu.VMEM((CHUNK,), jnp.int32),
            pltpu.SemaphoreType.DMA,
            pltpu.SemaphoreType.DMA,
            pltpu.SemaphoreType.DMA,
            pltpu.SemaphoreType.DMA,
            pltpu.SemaphoreType.DMA,
        ],
    )(_gather_body)


def _sc_gather(table, ids_flat):
    return _make_gather()(table, ids_flat)



_NB = N_OUT // 128
_SB = 128
_JBLK = _SB // F_IN
_QS = 32


def _out_body(dr_ref, g_ref, t_ref, a_ref, b_ref, o_ref):
    bits = g_ref[...]
    w = lax.bitcast_convert_type(bits & ~3, jnp.float32)
    ch = bits & 3
    cpat2 = lax.broadcasted_iota(jnp.int32, (_SB, 128), 0) % F_IN
    t = t_ref[...]
    drsel = jnp.zeros((_SB, 128), jnp.float32)
    for c in range(F_IN):
        drsel += jnp.where(cpat2 == c, dr_ref[c], 0.0)
    e = jnp.exp(-drsel * t)
    vals = jnp.where(ch == cpat2[None], w * e[None], 0.0)
    a = a_ref[...]
    b = b_ref[...]
    for q in range(_SB // _QS):
        vq = vals[:, q * _QS:(q + 1) * _QS, :]
        v160 = vq.reshape(K * _QS, 128)
        res = lax.dot_general(a, v160, (((1,), (0,)), ((), ())),
                              preferred_element_type=jnp.float32)
        res = res + b
        res4 = res.reshape(8, F_OUT // 8, 8, 128)
        o_ref[:, q * 8:(q + 1) * 8, :, :] = jnp.transpose(res4, (1, 0, 2, 3))


def _finish(dr, g3, t_rep, a_mat, bias_col):
    grid = (F_IN * _NB // _SB,)
    return pl.pallas_call(
        _out_body,
        grid=grid,
        out_shape=jax.ShapeDtypeStruct((F_OUT // 8, _NB, 8, 128), jnp.float32),
        in_specs=[
            pl.BlockSpec(memory_space=pltpu.MemorySpace.SMEM),
            pl.BlockSpec((K, _SB, 128), lambda i: (0, i, 0)),
            pl.BlockSpec((_SB, 128), lambda i: (i, 0)),
            pl.BlockSpec((8 * F_OUT, K * _QS), lambda i: (0, 0)),
            pl.BlockSpec((8 * F_OUT, 1), lambda i: (0, 0)),
        ],
        out_specs=pl.BlockSpec((F_OUT // 8, _JBLK, 8, 128), lambda i: (0, i, 0, 0)),
    )(dr, g3, t_rep, a_mat, bias_col)


def kernel(times_in, times_out, segment_filter_ids, one_hot_predecessor_ids,
           decay_rate, kernel, bias):
    dr = jax.nn.softplus(decay_rate)

    pad = N_TPAD - N_IN
    t_pad = jnp.pad(times_in, (0, pad))
    s_pad = jnp.pad(segment_filter_ids, (0, pad), constant_values=-1)

    table = _build_table(dr, t_pad, s_pad).reshape(-1)
    ids_flat = (one_hot_predecessor_ids
                .reshape(_NB, 128, K, F_IN)
                .transpose(2, 0, 3, 1)
                .reshape(-1))
    g = _sc_gather(table, ids_flat)

    m3 = kernel
    a_mat = jnp.einsum("kcf,ts->sfktc", m3, jnp.eye(8, dtype=m3.dtype))
    a_mat = a_mat.reshape(8 * F_OUT, K * _QS)
    bias_col = jnp.tile(bias, (8,)).reshape(8 * F_OUT, 1)
    t_rep = jnp.repeat(times_out.reshape(_NB, 128), F_IN, axis=0)

    out4 = _finish(dr, g.reshape(K, F_IN * _NB, 128), t_rep, a_mat, bias_col)
    return jnp.transpose(out4, (1, 3, 0, 2)).reshape(N_OUT, F_OUT)

# --- scband reference (transcript-rebuilt; emitter-appended) ---
"""Pipeline reference for scband-one-hot-conv-34857954574522 (READ-ONLY COPY).

The authoritative reference and input builder live on the scoring server;
editing this copy changes nothing except your own understanding.
"""

import jax, jax.numpy as jnp
import numpy as np

N_IN = 262144
N_OUT = 262144
K = 5
F_IN = 4
F_OUT = 32


def setup_inputs(seed: int = 0) -> dict:
    key = jax.random.key(seed)
    ks = jax.random.split(key, 8)
    times_in = jax.random.uniform(ks[0], (N_IN,), dtype=jnp.float32)
    times_out = jax.random.uniform(ks[1], (N_OUT,), dtype=jnp.float32)
    segment_filter_ids = jax.random.randint(ks[2], (N_IN,), 0, F_IN, dtype=jnp.int64 if jax.config.jax_enable_x64 else jnp.int32).astype(jnp.int32)
    one_hot_predecessor_ids = jax.random.randint(ks[3], (N_OUT, K, F_IN), 0, N_IN + 1).astype(jnp.int32)
    # learned parameters (per build(): decay_rate [F_IN], kernel [K, F_IN, F_OUT], bias [F_OUT])
    decay_rate = jnp.zeros((F_IN,), dtype=jnp.float32)  # 'zeros' initializer
    limit = float(np.sqrt(6.0 / (K * F_IN + F_OUT)))  # glorot_uniform fan_in=K*F_IN, fan_out=F_OUT
    kernel = jax.random.uniform(ks[4], (K, F_IN, F_OUT), dtype=jnp.float32, minval=-limit, maxval=limit)
    bias = jnp.zeros((F_OUT,), dtype=jnp.float32)
    return {
        "times_in": times_in,
        "times_out": times_out,
        "segment_filter_ids": segment_filter_ids,
        "one_hot_predecessor_ids": one_hot_predecessor_ids,
        "decay_rate": decay_rate,
        "kernel": kernel,
        "bias": bias,
    }


def _one_hot_conv(times_in, times_out, dr, kernel, segment_filter_ids, one_hot_predecessor_ids):
    n_in = times_in.shape[0]
    # pad slot n_in for invalid predecessors
    pad_times = jnp.concatenate([times_in, jnp.zeros((1,), times_in.dtype)])
    pad_ch = jnp.concatenate([segment_filter_ids, jnp.full((1,), -1, segment_filter_ids.dtype)])
    valid = one_hot_predecessor_ids < n_in
    idx = jnp.clip(one_hot_predecessor_ids, 0, n_in)
    t_pred = pad_times[idx]  # [N_OUT, K, F_IN] gather
    ch_pred = pad_ch[idx]    # [N_OUT, K, F_IN] gather
    dt = times_out[:, None, None] - t_pred
    # one-hot channel constraint: gathered event contributes only to its own input channel
    ch_mask = ch_pred == jnp.arange(t_pred.shape[-1], dtype=ch_pred.dtype)[None, None, :]
    mask = (valid & ch_mask).astype(dt.dtype)
    vals = jnp.exp(-dr[None, None, :] * dt) * mask  # exponentially decayed responses
    out = jnp.einsum('jkc,kcf->jf', vals, kernel)
    return out


def reference(times_in, times_out, segment_filter_ids, one_hot_predecessor_ids, decay_rate, kernel, bias):
    dr = jax.nn.softplus(decay_rate)  # decay_rate_activation='softplus'
    out = _one_hot_conv(times_in, times_out, dr, kernel, segment_filter_ids, one_hot_predecessor_ids)
    out = out + bias  # use_bias=True
    return out  # activation=None -> linear

if __name__ == "__main__":
    import jax
    _d = setup_inputs()
    print(jax.jit(kernel)(*tuple(_d.values())))

</pallas_src>

<mosaic_0001>
#map = affine_map<(d0, d1) -> (0)>
module attributes {stable_mosaic.version = 14 : i64} {
  func.func @_gather_body(%arg0: i32, %arg1: i32, %arg2: memref<263168xi32, #tpu.memory_space<hbm>>, %arg3: memref<5242880xi32, #tpu.memory_space<hbm>>, %arg4: memref<5242880xi32, #tpu.memory_space<hbm>>, %arg5: memref<16384xi32, #tpu.memory_space<vmem>>, %arg6: memref<16384xi32, #tpu.memory_space<vmem>>, %arg7: memref<16384xi32, #tpu.memory_space<vmem>>, %arg8: memref<16384xi32, #tpu.memory_space<vmem>>, %arg9: memref<!tpu.dma_semaphore, #tpu.memory_space<semaphore_mem>>, %arg10: memref<!tpu.dma_semaphore, #tpu.memory_space<semaphore_mem>>, %arg11: memref<!tpu.dma_semaphore, #tpu.memory_space<semaphore_mem>>, %arg12: memref<!tpu.dma_semaphore, #tpu.memory_space<semaphore_mem>>, %arg13: memref<!tpu.dma_semaphore, #tpu.memory_space<semaphore_mem>>) attributes {dimension_semantics = [#tpu.dimension_semantics<core_parallel>, #tpu.dimension_semantics<subcore_parallel>], iteration_bounds = array<i64: 2, 16>, scalar_prefetch = 0 : i64, scratch_operands = 9 : i64, tpu.core_type = #tpu.core_type<sc_vector_subcore>, window_params = [{transform_indices = #map}, {transform_indices = #map}, {transform_indices = #map}]} {
    %mul3A = arith.constant 2 : i32
    %mul3A_0 = arith.muli %arg1, %mul3A : i32
    %add3A = arith.addi %mul3A_0, %arg0 : i32
    %mul3A_1 = arith.constant 163840 : i32
    %mul3A_2 = arith.muli %add3A, %mul3A_1 : i32
    %dma_start3A = tpu.memref_slice %arg3[%mul3A_2] : memref<5242880xi32, #tpu.memory_space<hbm>> -> memref<16384xi32, #tpu.memory_space<hbm>>
    %dma_start3A_3 = tpu.memref_slice %arg3[%mul3A_2] : memref<5242880xi32, #tpu.memory_space<hbm>> -> memref<16384xi32, #tpu.memory_space<hbm>>
    tpu.enqueue_dma source(%dma_start3A_3 : memref<16384xi32, #tpu.memory_space<hbm>>) target(%arg5 : memref<16384xi32, #tpu.memory_space<vmem>>) target_semaphore(%arg9 : memref<!tpu.dma_semaphore, #tpu.memory_space<semaphore_mem>>)
    %scan3A = arith.constant 0 : i32
    %scan3A_4 = arith.constant 0 : i32
    %scan3A_5 = arith.constant 5 : i32
    %scan3A_6 = arith.addi %scan3A_4, %scan3A_5 : i32
    %scan3A_7 = arith.constant 1 : i32
    scf.for %scan3A_24 = %scan3A_4 to %scan3A_6 step %scan3A_7  : i32 {
      %mul3A_25 = arith.constant 2 : i32
      %mul3A_26 = arith.muli %scan3A_24, %mul3A_25 : i32
      %add3A_27 = arith.constant 0 : i32
      %add3A_28 = arith.addi %mul3A_26, %add3A_27 : i32
      %mul3A_29 = arith.constant 16384 : i32
      %mul3A_30 = arith.muli %add3A_28, %mul3A_29 : i32
      %add3A_31 = arith.addi %mul3A_2, %mul3A_30 : i32
      %dma_wait3A_32 = arith.constant 0 : i32
      %dma_wait3A_33 = tpu.memref_slice %arg3[%dma_wait3A_32] : memref<5242880xi32, #tpu.memory_space<hbm>> -> memref<16384xi32, #tpu.memory_space<hbm>>
      %dma_wait3A_34 = arith.constant 0 : i32
      %dma_wait3A_35 = tpu.memref_slice %arg3[%dma_wait3A_34] : memref<5242880xi32, #tpu.memory_space<hbm>> -> memref<16384xi32, #tpu.memory_space<hbm>>
      tpu.wait_dma2 semaphore(%arg9 : memref<!tpu.dma_semaphore, #tpu.memory_space<semaphore_mem>>) src(%dma_wait3A_35 : memref<16384xi32, #tpu.memory_space<hbm>>) dst(%arg5 : memref<16384xi32, #tpu.memory_space<vmem>>)
      %ge3A = arith.constant 2 : i32
      %ge3A_36 = arith.cmpi sge, %add3A_28, %ge3A : i32
      %convert_element_type3A = arith.extui %ge3A_36 : i1 to i32
      %cond3A = arith.constant 0 : i32
      %cond3A_37 = arith.cmpi ne, %convert_element_type3A, %cond3A : i32
      scf.if %cond3A_37 {
        %dma_wait3A_92 = arith.constant 0 : i32
        %dma_wait3A_93 = tpu.memref_slice %arg3[%dma_wait3A_92] : memref<5242880xi32, #tpu.memory_space<hbm>> -> memref<16384xi32, #tpu.memory_space<hbm>>
        %dma_wait3A_94 = arith.constant 0 : i32
        %dma_wait3A_95 = tpu.memref_slice %arg3[%dma_wait3A_94] : memref<5242880xi32, #tpu.memory_space<hbm>> -> memref<16384xi32, #tpu.memory_space<hbm>>
        tpu.wait_dma2 semaphore(%arg12 : memref<!tpu.dma_semaphore, #tpu.memory_space<semaphore_mem>>) src(%dma_wait3A_95 : memref<16384xi32, #tpu.memory_space<hbm>>) dst(%arg7 : memref<16384xi32, #tpu.memory_space<vmem>>)
      } else {
      }
      %scan3A_38 = arith.constant 0 : i32
      %scan3A_39 = arith.constant 0 : i32
      %scan3A_40 = arith.constant 64 : i32
      %scan3A_41 = arith.addi %scan3A_39, %scan3A_40 : i32
      %scan3A_42 = arith.constant 1 : i32
      scf.for %scan3A_92 = %scan3A_39 to %scan3A_41 step %scan3A_42  : i32 {
        %mul3A_93 = arith.constant 256 : i32
        %mul3A_94 = arith.muli %scan3A_92, %mul3A_93 : i32
        %mul3A_95 = arith.constant 256 : i32
        %mul3A_96 = arith.muli %scan3A_92, %mul3A_95 : i32
        %dma_start3A_97 = tpu.memref_slice %arg7[%mul3A_96] : memref<16384xi32, #tpu.memory_space<vmem>> -> memref<256xi32, #tpu.memory_space<vmem>>
        %dma_start3A_98 = tpu.memref_slice %arg5[%mul3A_94] : memref<16384xi32, #tpu.memory_space<vmem>> -> memref<256xi32, #tpu.memory_space<vmem>>
        %dma_start3A_99 = arith.constant 0 : i32
        %dma_start3A_100 = tpu.memref_slice %arg2[%dma_start3A_99] : memref<263168xi32, #tpu.memory_space<hbm>> -> memref<263168xi32, #tpu.memory_space<hbm>>
        tpu.enqueue_indirect_dma source(%dma_start3A_100 : memref<263168xi32, #tpu.memory_space<hbm>>) target(%dma_start3A_97 : memref<256xi32, #tpu.memory_space<vmem>>) offsets(%dma_start3A_98 : memref<256xi32, #tpu.memory_space<vmem>>) semaphore(%arg10 : memref<!tpu.dma_semaphore, #tpu.memory_space<semaphore_mem>>)
      }
      %scan3A_43 = arith.constant 64 : i32
      %ge3A_44 = arith.constant 1 : i32
      %ge3A_45 = arith.cmpi sge, %add3A_28, %ge3A_44 : i32
      %sub3A = arith.constant 16384 : i32
      %sub3A_46 = arith.subi %add3A_31, %sub3A : i32
      %convert_element_type3A_47 = arith.extui %ge3A_45 : i1 to i32
      %cond3A_48 = arith.constant 0 : i32
      %cond3A_49 = arith.cmpi ne, %convert_element_type3A_47, %cond3A_48 : i32
      scf.if %cond3A_49 {
        %dma_wait3A_92 = arith.constant 0 : i32
        %dma_wait3A_93 = tpu.memref_slice %arg2[%dma_wait3A_92] : memref<263168xi32, #tpu.memory_space<hbm>> -> memref<16384xi32, #tpu.memory_space<hbm>>
        %dma_wait3A_94 = arith.constant 0 : i32
        %dma_wait3A_95 = tpu.memref_slice %arg2[%dma_wait3A_94] : memref<263168xi32, #tpu.memory_space<hbm>> -> memref<16384xi32, #tpu.memory_space<hbm>>
        tpu.wait_dma2 semaphore(%arg11 : memref<!tpu.dma_semaphore, #tpu.memory_space<semaphore_mem>>) src(%dma_wait3A_95 : memref<16384xi32, #tpu.memory_space<hbm>>) dst(%arg8 : memref<16384xi32, #tpu.memory_space<vmem>>)
        %dma_start3A_96 = tpu.memref_slice %arg4[%sub3A_46] : memref<5242880xi32, #tpu.memory_space<hbm>> -> memref<16384xi32, #tpu.memory_space<hbm>>
        %dma_start3A_97 = tpu.memref_slice %arg4[%sub3A_46] : memref<5242880xi32, #tpu.memory_space<hbm>> -> memref<16384xi32, #tpu.memory_space<hbm>>
        tpu.enqueue_dma source(%arg8 : memref<16384xi32, #tpu.memory_space<vmem>>) target(%dma_start3A_97 : memref<16384xi32, #tpu.memory_space<hbm>>) target_semaphore(%arg13 : memref<!tpu.dma_semaphore, #tpu.memory_space<semaphore_mem>>)
      } else {
      }
      %add3A_50 = arith.constant 1 : i32
      %add3A_51 = arith.addi %add3A_28, %add3A_50 : i32
      %lt3A = arith.constant 10 : i32
      %lt3A_52 = arith.cmpi slt, %add3A_51, %lt3A : i32
      %convert_element_type3A_53 = arith.extui %lt3A_52 : i1 to i32
      %cond3A_54 = arith.constant 0 : i32
      %cond3A_55 = arith.cmpi ne, %convert_element_type3A_53, %cond3A_54 : i32
      scf.if %cond3A_55 {
        %add3A_92 = arith.constant 16384 : i32
        %add3A_93 = arith.addi %add3A_31, %add3A_92 : i32
        %dma_start3A_94 = tpu.memref_slice %arg3[%add3A_93] : memref<5242880xi32, #tpu.memory_space<hbm>> -> memref<16384xi32, #tpu.memory_space<hbm>>
        %dma_start3A_95 = tpu.memref_slice %arg3[%add3A_93] : memref<5242880xi32, #tpu.memory_space<hbm>> -> memref<16384xi32, #tpu.memory_space<hbm>>
        tpu.enqueue_dma source(%dma_start3A_95 : memref<16384xi32, #tpu.memory_space<hbm>>) target(%arg6 : memref<16384xi32, #tpu.memory_space<vmem>>) target_semaphore(%arg9 : memref<!tpu.dma_semaphore, #tpu.memory_space<semaphore_mem>>)
      } else {
      }
      %mul3A_56 = arith.constant 2 : i32
      %mul3A_57 = arith.muli %scan3A_24, %mul3A_56 : i32
      %add3A_58 = arith.constant 1 : i32
      %add3A_59 = arith.addi %mul3A_57, %add3A_58 : i32
      %mul3A_60 = arith.constant 16384 : i32
      %mul3A_61 = arith.muli %add3A_59, %mul3A_60 : i32
      %add3A_62 = arith.addi %mul3A_2, %mul3A_61 : i32
      %dma_wait3A_63 = arith.constant 0 : i32
      %dma_wait3A_64 = tpu.memref_slice %arg3[%dma_wait3A_63] : memref<5242880xi32, #tpu.memory_space<hbm>> -> memref<16384xi32, #tpu.memory_space<hbm>>
      %dma_wait3A_65 = arith.constant 0 : i32
      %dma_wait3A_66 = tpu.memref_slice %arg3[%dma_wait3A_65] : memref<5242880xi32, #tpu.memory_space<hbm>> -> memref<16384xi32, #tpu.memory_space<hbm>>
      tpu.wait_dma2 semaphore(%arg9 : memref<!tpu.dma_semaphore, #tpu.memory_space<semaphore_mem>>) src(%dma_wait3A_66 : memref<16384xi32, #tpu.memory_space<hbm>>) dst(%arg6 : memref<16384xi32, #tpu.memory_space<vmem>>)
      %ge3A_67 = arith.constant 2 : i32
      %ge3A_68 = arith.cmpi sge, %add3A_59, %ge3A_67 : i32
      %convert_element_type3A_69 = arith.extui %ge3A_68 : i1 to i32
      %cond3A_70 = arith.constant 0 : i32
      %cond3A_71 = arith.cmpi ne, %convert_element_type3A_69, %cond3A_70 : i32
      scf.if %cond3A_71 {
        %dma_wait3A_92 = arith.constant 0 : i32
        %dma_wait3A_93 = tpu.memref_slice %arg3[%dma_wait3A_92] : memref<5242880xi32, #tpu.memory_space<hbm>> -> memref<16384xi32, #tpu.memory_space<hbm>>
        %dma_wait3A_94 = arith.constant 0 : i32
        %dma_wait3A_95 = tpu.memref_slice %arg3[%dma_wait3A_94] : memref<5242880xi32, #tpu.memory_space<hbm>> -> memref<16384xi32, #tpu.memory_space<hbm>>
        tpu.wait_dma2 semaphore(%arg13 : memref<!tpu.dma_semaphore, #tpu.memory_space<semaphore_mem>>) src(%dma_wait3A_95 : memref<16384xi32, #tpu.memory_space<hbm>>) dst(%arg8 : memref<16384xi32, #tpu.memory_space<vmem>>)
      } else {
      }
      %scan3A_72 = arith.constant 0 : i32
      %scan3A_73 = arith.constant 0 : i32
      %scan3A_74 = arith.constant 64 : i32
      %scan3A_75 = arith.addi %scan3A_73, %scan3A_74 : i32
      %scan3A_76 = arith.constant 1 : i32
      scf.for %scan3A_92 = %scan3A_73 to %scan3A_75 step %scan3A_76  : i32 {
        %mul3A_93 = arith.constant 256 : i32
        %mul3A_94 = arith.muli %scan3A_92, %mul3A_93 : i32
        %mul3A_95 = arith.constant 256 : i32
        %mul3A_96 = arith.muli %scan3A_92, %mul3A_95 : i32
        %dma_start3A_97 = tpu.memref_slice %arg8[%mul3A_96] : memref<16384xi32, #tpu.memory_space<vmem>> -> memref<256xi32, #tpu.memory_space<vmem>>
        %dma_start3A_98 = tpu.memref_slice %arg6[%mul3A_94] : memref<16384xi32, #tpu.memory_space<vmem>> -> memref<256xi32, #tpu.memory_space<vmem>>
        %dma_start3A_99 = arith.constant 0 : i32
        %dma_start3A_100 = tpu.memref_slice %arg2[%dma_start3A_99] : memref<263168xi32, #tpu.memory_space<hbm>> -> memref<263168xi32, #tpu.memory_space<hbm>>
        tpu.enqueue_indirect_dma source(%dma_start3A_100 : memref<263168xi32, #tpu.memory_space<hbm>>) target(%dma_start3A_97 : memref<256xi32, #tpu.memory_space<vmem>>) offsets(%dma_start3A_98 : memref<256xi32, #tpu.memory_space<vmem>>) semaphore(%arg11 : memref<!tpu.dma_semaphore, #tpu.memory_space<semaphore_mem>>)
      }
      %scan3A_77 = arith.constant 64 : i32
      %ge3A_78 = arith.constant 1 : i32
      %ge3A_79 = arith.cmpi sge, %add3A_59, %ge3A_78 : i32
      %sub3A_80 = arith.constant 16384 : i32
      %sub3A_81 = arith.subi %add3A_62, %sub3A_80 : i32
      %convert_element_type3A_82 = arith.extui %ge3A_79 : i1 to i32
      %cond3A_83 = arith.constant 0 : i32
      %cond3A_84 = arith.cmpi ne, %convert_element_type3A_82, %cond3A_83 : i32
      scf.if %cond3A_84 {
        %dma_wait3A_92 = arith.constant 0 : i32
        %dma_wait3A_93 = tpu.memref_slice %arg2[%dma_wait3A_92] : memref<263168xi32, #tpu.memory_space<hbm>> -> memref<16384xi32, #tpu.memory_space<hbm>>
        %dma_wait3A_94 = arith.constant 0 : i32
        %dma_wait3A_95 = tpu.memref_slice %arg2[%dma_wait3A_94] : memref<263168xi32, #tpu.memory_space<hbm>> -> memref<16384xi32, #tpu.memory_space<hbm>>
        tpu.wait_dma2 semaphore(%arg10 : memref<!tpu.dma_semaphore, #tpu.memory_space<semaphore_mem>>) src(%dma_wait3A_95 : memref<16384xi32, #tpu.memory_space<hbm>>) dst(%arg7 : memref<16384xi32, #tpu.memory_space<vmem>>)
        %dma_start3A_96 = tpu.memref_slice %arg4[%sub3A_81] : memref<5242880xi32, #tpu.memory_space<hbm>> -> memref<16384xi32, #tpu.memory_space<hbm>>
        %dma_start3A_97 = tpu.memref_slice %arg4[%sub3A_81] : memref<5242880xi32, #tpu.memory_space<hbm>> -> memref<16384xi32, #tpu.memory_space<hbm>>
        tpu.enqueue_dma source(%arg7 : memref<16384xi32, #tpu.memory_space<vmem>>) target(%dma_start3A_97 : memref<16384xi32, #tpu.memory_space<hbm>>) target_semaphore(%arg12 : memref<!tpu.dma_semaphore, #tpu.memory_space<semaphore_mem>>)
      } else {
      }
      %add3A_85 = arith.constant 1 : i32
      %add3A_86 = arith.addi %add3A_59, %add3A_85 : i32
      %lt3A_87 = arith.constant 10 : i32
      %lt3A_88 = arith.cmpi slt, %add3A_86, %lt3A_87 : i32
      %convert_element_type3A_89 = arith.extui %lt3A_88 : i1 to i32
      %cond3A_90 = arith.constant 0 : i32
      %cond3A_91 = arith.cmpi ne, %convert_element_type3A_89, %cond3A_90 : i32
      scf.if %cond3A_91 {
        %add3A_92 = arith.constant 16384 : i32
        %add3A_93 = arith.addi %add3A_62, %add3A_92 : i32
        %dma_start3A_94 = tpu.memref_slice %arg3[%add3A_93] : memref<5242880xi32, #tpu.memory_space<hbm>> -> memref<16384xi32, #tpu.memory_space<hbm>>
        %dma_start3A_95 = tpu.memref_slice %arg3[%add3A_93] : memref<5242880xi32, #tpu.memory_space<hbm>> -> memref<16384xi32, #tpu.memory_space<hbm>>
        tpu.enqueue_dma source(%dma_start3A_95 : memref<16384xi32, #tpu.memory_space<hbm>>) target(%arg5 : memref<16384xi32, #tpu.memory_space<vmem>>) target_semaphore(%arg9 : memref<!tpu.dma_semaphore, #tpu.memory_space<semaphore_mem>>)
      } else {
      }
    }
    %scan3A_8 = arith.constant 5 : i32
    %dma_wait3A = arith.constant 0 : i32
    %dma_wait3A_9 = tpu.memref_slice %arg2[%dma_wait3A] : memref<263168xi32, #tpu.memory_space<hbm>> -> memref<16384xi32, #tpu.memory_space<hbm>>
    %dma_wait3A_10 = arith.constant 0 : i32
    %dma_wait3A_11 = tpu.memref_slice %arg2[%dma_wait3A_10] : memref<263168xi32, #tpu.memory_space<hbm>> -> memref<16384xi32, #tpu.memory_space<hbm>>
    tpu.wait_dma2 semaphore(%arg11 : memref<!tpu.dma_semaphore, #tpu.memory_space<semaphore_mem>>) src(%dma_wait3A_11 : memref<16384xi32, #tpu.memory_space<hbm>>) dst(%arg8 : memref<16384xi32, #tpu.memory_space<vmem>>)
    %add3A_12 = arith.constant 147456 : i32
    %add3A_13 = arith.addi %mul3A_2, %add3A_12 : i32
    %dma_start3A_14 = tpu.memref_slice %arg4[%add3A_13] : memref<5242880xi32, #tpu.memory_space<hbm>> -> memref<16384xi32, #tpu.memory_space<hbm>>
    %dma_start3A_15 = tpu.memref_slice %arg4[%add3A_13] : memref<5242880xi32, #tpu.memory_space<hbm>> -> memref<16384xi32, #tpu.memory_space<hbm>>
    tpu.enqueue_dma source(%arg8 : memref<16384xi32, #tpu.memory_space<vmem>>) target(%dma_start3A_15 : memref<16384xi32, #tpu.memory_space<hbm>>) target_semaphore(%arg13 : memref<!tpu.dma_semaphore, #tpu.memory_space<semaphore_mem>>)
    %dma_wait3A_16 = arith.constant 0 : i32
    %dma_wait3A_17 = tpu.memref_slice %arg3[%dma_wait3A_16] : memref<5242880xi32, #tpu.memory_space<hbm>> -> memref<16384xi32, #tpu.memory_space<hbm>>
    %dma_wait3A_18 = arith.constant 0 : i32
    %dma_wait3A_19 = tpu.memref_slice %arg3[%dma_wait3A_18] : memref<5242880xi32, #tpu.memory_space<hbm>> -> memref<16384xi32, #tpu.memory_space<hbm>>
    tpu.wait_dma2 semaphore(%arg12 : memref<!tpu.dma_semaphore, #tpu.memory_space<semaphore_mem>>) src(%dma_wait3A_19 : memref<16384xi32, #tpu.memory_space<hbm>>) dst(%arg7 : memref<16384xi32, #tpu.memory_space<vmem>>)
    %dma_wait3A_20 = arith.constant 0 : i32
    %dma_wait3A_21 = tpu.memref_slice %arg3[%dma_wait3A_20] : memref<5242880xi32, #tpu.memory_space<hbm>> -> memref<16384xi32, #tpu.memory_space<hbm>>
    %dma_wait3A_22 = arith.constant 0 : i32
    %dma_wait3A_23 = tpu.memref_slice %arg3[%dma_wait3A_22] : memref<5242880xi32, #tpu.memory_space<hbm>> -> memref<16384xi32, #tpu.memory_space<hbm>>
    tpu.wait_dma2 semaphore(%arg13 : memref<!tpu.dma_semaphore, #tpu.memory_space<semaphore_mem>>) src(%dma_wait3A_23 : memref<16384xi32, #tpu.memory_space<hbm>>) dst(%arg8 : memref<16384xi32, #tpu.memory_space<vmem>>)
    return
  }
}

module attributes {stable_mosaic.version = 14 : i64} {
  func.func @_table_body(%arg0: memref<4xf32, #tpu.memory_space<smem>>, %arg1: memref<2056x128xf32, #tpu.memory_space<vmem>>, %arg2: memref<2056x128xi32, #tpu.memory_space<vmem>>, %arg3: memref<2056x128xi32, #tpu.memory_space<vmem>>) attributes {dimension_semantics = [], scalar_prefetch = 0 : i64, scratch_operands = 0 : i64, tpu.core_type = #tpu.core_type<tc>} {
    %get3A = arith.constant 0 : index
    %get3A_0 = arith.constant 0 : index
    %get3A_1 = vector.load %arg1[%get3A, %get3A_0] : memref<2056x128xf32, #tpu.memory_space<vmem>>, vector<2056x128xf32>
    %get3A_2 = arith.constant 0 : index
    %get3A_3 = arith.constant 0 : index
    %get3A_4 = vector.load %arg2[%get3A_2, %get3A_3] : memref<2056x128xi32, #tpu.memory_space<vmem>>, vector<2056x128xi32>
    %broadcast_in_dim3A = arith.constant 0.000000e+00 : f32
    %broadcast_in_dim3A_5 = vector.broadcast %broadcast_in_dim3A : f32 to vector<2056x128xf32>
    %eq3A = arith.constant 0 : i32
    %eq3A_6 = vector.broadcast %eq3A : i32 to vector<2056x128xi32>
    %eq3A_7 = arith.cmpi eq, %get3A_4, %eq3A_6 : vector<2056x128xi32>
    %get3A_8 = arith.constant 0 : index
    %get3A_9 = memref.load %arg0[%get3A_8] : memref<4xf32, #tpu.memory_space<smem>>
    %jit3A = arith.constant 0.000000e+00 : f32
    %broadcast_in_dim3A_10 = vector.broadcast %get3A_9 : f32 to vector<2056x128xf32>
    %broadcast_in_dim3A_11 = vector.broadcast %jit3A : f32 to vector<2056x128xf32>
    %select_n3A = arith.select %eq3A_7, %broadcast_in_dim3A_10, %broadcast_in_dim3A_11 : vector<2056x128xi1>, vector<2056x128xf32>
    %add3A = arith.addf %broadcast_in_dim3A_5, %select_n3A : vector<2056x128xf32>
    %eq3A_12 = arith.constant 1 : i32
    %eq3A_13 = vector.broadcast %eq3A_12 : i32 to vector<2056x128xi32>
    %eq3A_14 = arith.cmpi eq, %get3A_4, %eq3A_13 : vector<2056x128xi32>
    %get3A_15 = arith.constant 1 : index
    %get3A_16 = memref.load %arg0[%get3A_15] : memref<4xf32, #tpu.memory_space<smem>>
    %jit3A_17 = arith.constant 0.000000e+00 : f32
    %broadcast_in_dim3A_18 = vector.broadcast %get3A_16 : f32 to vector<2056x128xf32>
    %broadcast_in_dim3A_19 = vector.broadcast %jit3A_17 : f32 to vector<2056x128xf32>
    %select_n3A_20 = arith.select %eq3A_14, %broadcast_in_dim3A_18, %broadcast_in_dim3A_19 : vector<2056x128xi1>, vector<2056x128xf32>
    %add3A_21 = arith.addf %add3A, %select_n3A_20 : vector<2056x128xf32>
    %eq3A_22 = arith.constant 2 : i32
    %eq3A_23 = vector.broadcast %eq3A_22 : i32 to vector<2056x128xi32>
    %eq3A_24 = arith.cmpi eq, %get3A_4, %eq3A_23 : vector<2056x128xi32>
    %get3A_25 = arith.constant 2 : index
    %get3A_26 = memref.load %arg0[%get3A_25] : memref<4xf32, #tpu.memory_space<smem>>
    %jit3A_27 = arith.constant 0.000000e+00 : f32
    %broadcast_in_dim3A_28 = vector.broadcast %get3A_26 : f32 to vector<2056x128xf32>
    %broadcast_in_dim3A_29 = vector.broadcast %jit3A_27 : f32 to vector<2056x128xf32>
    %select_n3A_30 = arith.select %eq3A_24, %broadcast_in_dim3A_28, %broadcast_in_dim3A_29 : vector<2056x128xi1>, vector<2056x128xf32>
    %add3A_31 = arith.addf %add3A_21, %select_n3A_30 : vector<2056x128xf32>
    %eq3A_32 = arith.constant 3 : i32
    %eq3A_33 = vector.broadcast %eq3A_32 : i32 to vector<2056x128xi32>
    %eq3A_34 = arith.cmpi eq, %get3A_4, %eq3A_33 : vector<2056x128xi32>
    %get3A_35 = arith.constant 3 : index
    %get3A_36 = memref.load %arg0[%get3A_35] : memref<4xf32, #tpu.memory_space<smem>>
    %jit3A_37 = arith.constant 0.000000e+00 : f32
    %broadcast_in_dim3A_38 = vector.broadcast %get3A_36 : f32 to vector<2056x128xf32>
    %broadcast_in_dim3A_39 = vector.broadcast %jit3A_37 : f32 to vector<2056x128xf32>
    %select_n3A_40 = arith.select %eq3A_34, %broadcast_in_dim3A_38, %broadcast_in_dim3A_39 : vector<2056x128xi1>, vector<2056x128xf32>
    %add3A_41 = arith.addf %add3A_31, %select_n3A_40 : vector<2056x128xf32>
    %mul3A = arith.mulf %add3A_41, %get3A_1 : vector<2056x128xf32>
    %exp3A = math.exp %mul3A : vector<2056x128xf32>
    %bitcast_convert_type3A = tpu.bitcast %exp3A : vector<2056x128xf32> -> vector<2056x128xi32>
    %and3A = arith.constant -4 : i32
    %and3A_42 = vector.broadcast %and3A : i32 to vector<2056x128xi32>
    %and3A_43 = arith.andi %bitcast_convert_type3A, %and3A_42 : vector<2056x128xi32>
    %and3A_44 = arith.constant 3 : i32
    %and3A_45 = vector.broadcast %and3A_44 : i32 to vector<2056x128xi32>
    %and3A_46 = arith.andi %get3A_4, %and3A_45 : vector<2056x128xi32>
    %or3A = arith.ori %and3A_43, %and3A_46 : vector<2056x128xi32>
    %ge3A = arith.constant 0 : i32
    %ge3A_47 = vector.broadcast %ge3A : i32 to vector<2056x128xi32>
    %ge3A_48 = arith.cmpi sge, %get3A_4, %ge3A_47 : vector<2056x128xi32>
    %jit3A_49 = arith.constant 0 : i32
    %broadcast_in_dim3A_50 = vector.broadcast %jit3A_49 : i32 to vector<2056x128xi32>
    %select_n3A_51 = arith.select %ge3A_48, %or3A, %broadcast_in_dim3A_50 : vector<2056x128xi1>, vector<2056x128xi32>
    %swap3A = arith.constant 0 : index
    %swap3A_52 = arith.constant 0 : index
    %swap3A_53 = vector.load %arg3[%swap3A, %swap3A_52] : memref<2056x128xi32, #tpu.memory_space<vmem>>, vector<2056x128xi32>
    tpu.vector_store %arg3[%swap3A, %swap3A_52], %select_n3A_51 {strides = array<i32>} : memref<2056x128xi32, #tpu.memory_space<vmem>>, vector<2056x128xi32>,
    return
  }
}

module attributes {stable_mosaic.version = 14 : i64} {
  func.func @_out_body(%arg0: i32, %arg1: memref<4xf32, #tpu.memory_space<smem>>, %arg2: memref<5x128x128xi32, #tpu.memory_space<vmem>>, %arg3: memref<128x128xf32, #tpu.memory_space<vmem>>, %arg4: memref<256x160xf32, #tpu.memory_space<vmem>>, %arg5: memref<256x1xf32, #tpu.memory_space<vmem>>, %arg6: memref<4x32x8x128xf32, #tpu.memory_space<vmem>>) attributes {dimension_semantics = [#tpu.dimension_semantics<arbitrary>], iteration_bounds = array<i64: 64>, scalar_prefetch = 0 : i64, scratch_operands = 0 : i64, tpu.core_type = #tpu.core_type<tc>, window_params = [{transform_indices = @transform_0, window_bounds = array<i64: 4>}, {transform_indices = @transform_1, window_bounds = array<i64: 5, 128, 128>}, {transform_indices = @transform_2, window_bounds = array<i64: 128, 128>}, {pipeline_mode = #tpu.pipeline_mode<synchronous>, transform_indices = @transform_3, window_bounds = array<i64: 256, 160>}, {pipeline_mode = #tpu.pipeline_mode<synchronous>, transform_indices = @transform_4, window_bounds = array<i64: 256, 1>}, {transform_indices = @transform_5, window_bounds = array<i64: 4, 32, 8, 128>}]} {
    %get3A = arith.constant 0 : index
    %get3A_0 = arith.constant 0 : index
    %get3A_1 = arith.constant 0 : index
    %get3A_2 = vector.load %arg2[%get3A, %get3A_0, %get3A_1] : memref<5x128x128xi32, #tpu.memory_space<vmem>>, vector<5x128x128xi32>
    %and3A = arith.constant -4 : i32
    %and3A_3 = vector.broadcast %and3A : i32 to vector<5x128x128xi32>
    %and3A_4 = arith.andi %get3A_2, %and3A_3 : vector<5x128x128xi32>
    %bitcast_convert_type3A = tpu.bitcast %and3A_4 : vector<5x128x128xi32> -> vector<5x128x128xf32>
    %and3A_5 = arith.constant 3 : i32
    %and3A_6 = vector.broadcast %and3A_5 : i32 to vector<5x128x128xi32>
    %and3A_7 = arith.andi %get3A_2, %and3A_6 : vector<5x128x128xi32>
    %iota3A = tpu.iota {dimensions = array<i32: 0>} : vector<128x128xi32>
    %jit3A = arith.constant 4 : i32
    %eq3A = arith.constant 0 : i32
    %eq3A_8 = arith.cmpi eq, %jit3A, %eq3A : i32
    %jit3A_9 = arith.constant 1 : i32
    %select_n3A = arith.select %eq3A_8, %jit3A_9, %jit3A : i32
    %rem3A = vector.broadcast %select_n3A : i32 to vector<128x128xi32>
    %rem3A_10 = arith.remsi %iota3A, %rem3A : vector<128x128xi32>
    %ne3A = arith.constant 0 : i32
    %ne3A_11 = vector.broadcast %ne3A : i32 to vector<128x128xi32>
    %ne3A_12 = arith.cmpi ne, %rem3A_10, %ne3A_11 : vector<128x128xi32>
    %lt3A = arith.constant 0 : i32
    %lt3A_13 = vector.broadcast %lt3A : i32 to vector<128x128xi32>
    %lt3A_14 = arith.cmpi slt, %rem3A_10, %lt3A_13 : vector<128x128xi32>
    %lt3A_15 = arith.constant 0 : i32
    %lt3A_16 = arith.cmpi slt, %select_n3A, %lt3A_15 : i32
    %ne3A_17 = vector.broadcast %lt3A_16 : i1 to vector<128x128xi1>
    %ne3A_18 = vector.broadcast %ne3A_17 : vector<128x128xi1> to vector<128x128xi1>
    %ne3A_19 = arith.xori %lt3A_14, %ne3A_18 : vector<128x128xi1>
    %and3A_20 = arith.andi %ne3A_19, %ne3A_12 : vector<128x128xi1>
    %add3A = vector.broadcast %select_n3A : i32 to vector<128x128xi32>
    %add3A_21 = arith.addi %rem3A_10, %add3A : vector<128x128xi32>
    %select_n3A_22 = arith.select %and3A_20, %add3A_21, %rem3A_10 : vector<128x128xi1>, vector<128x128xi32>
    %get3A_23 = arith.constant 0 : index
    %get3A_24 = arith.constant 0 : index
    %get3A_25 = vector.load %arg3[%get3A_23, %get3A_24] : memref<128x128xf32, #tpu.memory_space<vmem>>, vector<128x128xf32>
    %broadcast_in_dim3A = arith.constant 0.000000e+00 : f32
    %broadcast_in_dim3A_26 = vector.broadcast %broadcast_in_dim3A : f32 to vector<128x128xf32>
    %eq3A_27 = arith.constant 0 : i32
    %eq3A_28 = vector.broadcast %eq3A_27 : i32 to vector<128x128xi32>
    %eq3A_29 = arith.cmpi eq, %select_n3A_22, %eq3A_28 : vector<128x128xi32>
    %get3A_30 = arith.constant 0 : index
    %get3A_31 = memref.load %arg1[%get3A_30] : memref<4xf32, #tpu.memory_space<smem>>
    %jit3A_32 = arith.constant 0.000000e+00 : f32
    %broadcast_in_dim3A_33 = vector.broadcast %get3A_31 : f32 to vector<128x128xf32>
    %broadcast_in_dim3A_34 = vector.broadcast %jit3A_32 : f32 to vector<128x128xf32>
    %select_n3A_35 = arith.select %eq3A_29, %broadcast_in_dim3A_33, %broadcast_in_dim3A_34 : vector<128x128xi1>, vector<128x128xf32>
    %add3A_36 = arith.addf %broadcast_in_dim3A_26, %select_n3A_35 : vector<128x128xf32>
    %eq3A_37 = arith.constant 1 : i32
    %eq3A_38 = vector.broadcast %eq3A_37 : i32 to vector<128x128xi32>
    %eq3A_39 = arith.cmpi eq, %select_n3A_22, %eq3A_38 : vector<128x128xi32>
    %get3A_40 = arith.constant 1 : index
    %get3A_41 = memref.load %arg1[%get3A_40] : memref<4xf32, #tpu.memory_space<smem>>
    %jit3A_42 = arith.constant 0.000000e+00 : f32
    %broadcast_in_dim3A_43 = vector.broadcast %get3A_41 : f32 to vector<128x128xf32>
    %broadcast_in_dim3A_44 = vector.broadcast %jit3A_42 : f32 to vector<128x128xf32>
    %select_n3A_45 = arith.select %eq3A_39, %broadcast_in_dim3A_43, %broadcast_in_dim3A_44 : vector<128x128xi1>, vector<128x128xf32>
    %add3A_46 = arith.addf %add3A_36, %select_n3A_45 : vector<128x128xf32>
    %eq3A_47 = arith.constant 2 : i32
    %eq3A_48 = vector.broadcast %eq3A_47 : i32 to vector<128x128xi32>
    %eq3A_49 = arith.cmpi eq, %select_n3A_22, %eq3A_48 : vector<128x128xi32>
    %get3A_50 = arith.constant 2 : index
    %get3A_51 = memref.load %arg1[%get3A_50] : memref<4xf32, #tpu.memory_space<smem>>
    %jit3A_52 = arith.constant 0.000000e+00 : f32
    %broadcast_in_dim3A_53 = vector.broadcast %get3A_51 : f32 to vector<128x128xf32>
    %broadcast_in_dim3A_54 = vector.broadcast %jit3A_52 : f32 to vector<128x128xf32>
    %select_n3A_55 = arith.select %eq3A_49, %broadcast_in_dim3A_53, %broadcast_in_dim3A_54 : vector<128x128xi1>, vector<128x128xf32>
    %add3A_56 = arith.addf %add3A_46, %select_n3A_55 : vector<128x128xf32>
    %eq3A_57 = arith.constant 3 : i32
    %eq3A_58 = vector.broadcast %eq3A_57 : i32 to vector<128x128xi32>
    %eq3A_59 = arith.cmpi eq, %select_n3A_22, %eq3A_58 : vector<128x128xi32>
    %get3A_60 = arith.constant 3 : index
    %get3A_61 = memref.load %arg1[%get3A_60] : memref<4xf32, #tpu.memory_space<smem>>
    %jit3A_62 = arith.constant 0.000000e+00 : f32
    %broadcast_in_dim3A_63 = vector.broadcast %get3A_61 : f32 to vector<128x128xf32>
    %broadcast_in_dim3A_64 = vector.broadcast %jit3A_62 : f32 to vector<128x128xf32>
    %select_n3A_65 = arith.select %eq3A_59, %broadcast_in_dim3A_63, %broadcast_in_dim3A_64 : vector<128x128xi1>, vector<128x128xf32>
    %add3A_66 = arith.addf %add3A_56, %select_n3A_65 : vector<128x128xf32>
    %neg3A = arith.constant 0.000000e+00 : f32
    %neg3A_67 = vector.broadcast %neg3A : f32 to vector<128x128xf32>
    %neg3A_68 = arith.subf %neg3A_67, %add3A_66 : vector<128x128xf32>
    %mul3A = arith.mulf %neg3A_68, %get3A_25 : vector<128x128xf32>
    %exp3A = math.exp %mul3A : vector<128x128xf32>
    %broadcast_in_dim3A_69 = vector.shape_cast %select_n3A_22 : vector<128x128xi32> to vector<1x128x128xi32>
    %eq3A_70 = vector.broadcast %broadcast_in_dim3A_69 : vector<1x128x128xi32> to vector<5x128x128xi32>
    %eq3A_71 = arith.cmpi eq, %and3A_7, %eq3A_70 : vector<5x128x128xi32>
    %broadcast_in_dim3A_72 = vector.shape_cast %exp3A : vector<128x128xf32> to vector<1x128x128xf32>
    %mul3A_73 = vector.broadcast %broadcast_in_dim3A_72 : vector<1x128x128xf32> to vector<5x128x128xf32>
    %mul3A_74 = arith.mulf %bitcast_convert_type3A, %mul3A_73 : vector<5x128x128xf32>
    %jit3A_75 = arith.constant 0.000000e+00 : f32
    %broadcast_in_dim3A_76 = vector.broadcast %jit3A_75 : f32 to vector<5x128x128xf32>
    %select_n3A_77 = arith.select %eq3A_71, %mul3A_74, %broadcast_in_dim3A_76 : vector<5x128x128xi1>, vector<5x128x128xf32>
    %get3A_78 = arith.constant 0 : index
    %get3A_79 = arith.constant 0 : index
    %get3A_80 = vector.load %arg4[%get3A_78, %get3A_79] : memref<256x160xf32, #tpu.memory_space<vmem>>, vector<256x160xf32>
    %get3A_81 = arith.constant 0 : index
    %get3A_82 = arith.constant 0 : index
    %get3A_83 = vector.load %arg5[%get3A_81, %get3A_82] : memref<256x1xf32, #tpu.memory_space<vmem>>, vector<256x1xf32>
    %slice3A = vector.extract_strided_slice %select_n3A_77 {offsets = [0, 0, 0], sizes = [5, 32, 128], strides = [1, 1, 1]} : vector<5x128x128xf32> to vector<5x32x128xf32>
    %reshape3A = vector.shape_cast %slice3A : vector<5x32x128xf32> to vector<160x128xf32>
    %dot_general3A = arith.constant dense<0.000000e+00> : vector<256x128xf32>
    %dot_general3A_84 = tpu.matmul %get3A_80, %reshape3A, %dot_general3A {dimension_numbers = #tpu.dot_dimension_numbers<[1], [0], [0], [1], [0, 0, 1, 1], [], []>, transpose_lhs_hint = false} : vector<256x160xf32>, vector<160x128xf32>, vector<256x128xf32> -> vector<256x128xf32>
    %add3A_85 = vector.broadcast %get3A_83 : vector<256x1xf32> to vector<256x128xf32>
    %add3A_86 = arith.addf %dot_general3A_84, %add3A_85 : vector<256x128xf32>
    %reshape3A_87 = vector.shape_cast %add3A_86 : vector<256x128xf32> to vector<8x4x8x128xf32>
    %transpose3A = tpu.transpose %reshape3A_87, [1, 0, 2, 3] : vector<8x4x8x128xf32> -> vector<4x8x8x128xf32>
    %swap3A = arith.constant 0 : index
    %swap3A_88 = arith.constant 0 : index
    %swap3A_89 = arith.constant 0 : index
    %swap3A_90 = arith.constant 0 : index
    %swap3A_91 = vector.load %arg6[%swap3A, %swap3A_88, %swap3A_89, %swap3A_90] : memref<4x32x8x128xf32, #tpu.memory_space<vmem>>, vector<4x8x8x128xf32>
    tpu.vector_store %arg6[%swap3A, %swap3A_88, %swap3A_89, %swap3A_90], %transpose3A {strides = array<i32>} : memref<4x32x8x128xf32, #tpu.memory_space<vmem>>, vector<4x8x8x128xf32>,
    %slice3A_92 = vector.extract_strided_slice %select_n3A_77 {offsets = [0, 32, 0], sizes = [5, 32, 128], strides = [1, 1, 1]} : vector<5x128x128xf32> to vector<5x32x128xf32>
    %reshape3A_93 = vector.shape_cast %slice3A_92 : vector<5x32x128xf32> to vector<160x128xf32>
    %dot_general3A_94 = arith.constant dense<0.000000e+00> : vector<256x128xf32>
    %dot_general3A_95 = tpu.matmul %get3A_80, %reshape3A_93, %dot_general3A_94 {dimension_numbers = #tpu.dot_dimension_numbers<[1], [0], [0], [1], [0, 0, 1, 1], [], []>, transpose_lhs_hint = false} : vector<256x160xf32>, vector<160x128xf32>, vector<256x128xf32> -> vector<256x128xf32>
    %add3A_96 = vector.broadcast %get3A_83 : vector<256x1xf32> to vector<256x128xf32>
    %add3A_97 = arith.addf %dot_general3A_95, %add3A_96 : vector<256x128xf32>
    %reshape3A_98 = vector.shape_cast %add3A_97 : vector<256x128xf32> to vector<8x4x8x128xf32>
    %transpose3A_99 = tpu.transpose %reshape3A_98, [1, 0, 2, 3] : vector<8x4x8x128xf32> -> vector<4x8x8x128xf32>
    %swap3A_100 = arith.constant 0 : index
    %swap3A_101 = arith.constant 8 : index
    %swap3A_102 = arith.constant 0 : index
    %swap3A_103 = arith.constant 0 : index
    %swap3A_104 = vector.load %arg6[%swap3A_100, %swap3A_101, %swap3A_102, %swap3A_103] : memref<4x32x8x128xf32, #tpu.memory_space<vmem>>, vector<4x8x8x128xf32>
    tpu.vector_store %arg6[%swap3A_100, %swap3A_101, %swap3A_102, %swap3A_103], %transpose3A_99 {strides = array<i32>} : memref<4x32x8x128xf32, #tpu.memory_space<vmem>>, vector<4x8x8x128xf32>,
    %slice3A_105 = vector.extract_strided_slice %select_n3A_77 {offsets = [0, 64, 0], sizes = [5, 32, 128], strides = [1, 1, 1]} : vector<5x128x128xf32> to vector<5x32x128xf32>
    %reshape3A_106 = vector.shape_cast %slice3A_105 : vector<5x32x128xf32> to vector<160x128xf32>
    %dot_general3A_107 = arith.constant dense<0.000000e+00> : vector<256x128xf32>
    %dot_general3A_108 = tpu.matmul %get3A_80, %reshape3A_106, %dot_general3A_107 {dimension_numbers = #tpu.dot_dimension_numbers<[1], [0], [0], [1], [0, 0, 1, 1], [], []>, transpose_lhs_hint = false} : vector<256x160xf32>, vector<160x128xf32>, vector<256x128xf32> -> vector<256x128xf32>
    %add3A_109 = vector.broadcast %get3A_83 : vector<256x1xf32> to vector<256x128xf32>
    %add3A_110 = arith.addf %dot_general3A_108, %add3A_109 : vector<256x128xf32>
    %reshape3A_111 = vector.shape_cast %add3A_110 : vector<256x128xf32> to vector<8x4x8x128xf32>
    %transpose3A_112 = tpu.transpose %reshape3A_111, [1, 0, 2, 3] : vector<8x4x8x128xf32> -> vector<4x8x8x128xf32>
    %swap3A_113 = arith.constant 0 : index
    %swap3A_114 = arith.constant 16 : index
    %swap3A_115 = arith.constant 0 : index
    %swap3A_116 = arith.constant 0 : index
    %swap3A_117 = vector.load %arg6[%swap3A_113, %swap3A_114, %swap3A_115, %swap3A_116] : memref<4x32x8x128xf32, #tpu.memory_space<vmem>>, vector<4x8x8x128xf32>
    tpu.vector_store %arg6[%swap3A_113, %swap3A_114, %swap3A_115, %swap3A_116], %transpose3A_112 {strides = array<i32>} : memref<4x32x8x128xf32, #tpu.memory_space<vmem>>, vector<4x8x8x128xf32>,
    %slice3A_118 = vector.extract_strided_slice %select_n3A_77 {offsets = [0, 96, 0], sizes = [5, 32, 128], strides = [1, 1, 1]} : vector<5x128x128xf32> to vector<5x32x128xf32>
    %reshape3A_119 = vector.shape_cast %slice3A_118 : vector<5x32x128xf32> to vector<160x128xf32>
    %dot_general3A_120 = arith.constant dense<0.000000e+00> : vector<256x128xf32>
    %dot_general3A_121 = tpu.matmul %get3A_80, %reshape3A_119, %dot_general3A_120 {dimension_numbers = #tpu.dot_dimension_numbers<[1], [0], [0], [1], [0, 0, 1, 1], [], []>, transpose_lhs_hint = false} : vector<256x160xf32>, vector<160x128xf32>, vector<256x128xf32> -> vector<256x128xf32>
    %add3A_122 = vector.broadcast %get3A_83 : vector<256x1xf32> to vector<256x128xf32>
    %add3A_123 = arith.addf %dot_general3A_121, %add3A_122 : vector<256x128xf32>
    %reshape3A_124 = vector.shape_cast %add3A_123 : vector<256x128xf32> to vector<8x4x8x128xf32>
    %transpose3A_125 = tpu.transpose %reshape3A_124, [1, 0, 2, 3] : vector<8x4x8x128xf32> -> vector<4x8x8x128xf32>
    %swap3A_126 = arith.constant 0 : index
    %swap3A_127 = arith.constant 24 : index
    %swap3A_128 = arith.constant 0 : index
    %swap3A_129 = arith.constant 0 : index
    %swap3A_130 = vector.load %arg6[%swap3A_126, %swap3A_127, %swap3A_128, %swap3A_129] : memref<4x32x8x128xf32, #tpu.memory_space<vmem>>, vector<4x8x8x128xf32>
    tpu.vector_store %arg6[%swap3A_126, %swap3A_127, %swap3A_128, %swap3A_129], %transpose3A_125 {strides = array<i32>} : memref<4x32x8x128xf32, #tpu.memory_space<vmem>>, vector<4x8x8x128xf32>,
    return
  }
  func.func @transform_0(%arg0: i32) -> i32 {
    %c0_i32 = arith.constant 0 : i32
    %c0_i32_0 = arith.constant 0 : i32
    return %c0_i32 : i32
  }
  func.func @transform_1(%arg0: i32) -> (i32, i32, i32) {
    %c0_i32 = arith.constant 0 : i32
    %c0_i32_0 = arith.constant 0 : i32
    %c0_i32_1 = arith.constant 0 : i32
    return %c0_i32, %arg0, %c0_i32_0 : i32, i32, i32
  }
  func.func @transform_2(%arg0: i32) -> (i32, i32) {
    %c0_i32 = arith.constant 0 : i32
    %c0_i32_0 = arith.constant 0 : i32
    return %arg0, %c0_i32 : i32, i32
  }
  func.func @transform_3(%arg0: i32) -> (i32, i32) {
    %c0_i32 = arith.constant 0 : i32
    %c0_i32_0 = arith.constant 0 : i32
    %c0_i32_1 = arith.constant 0 : i32
    return %c0_i32, %c0_i32_0 : i32, i32
  }
  func.func @transform_4(%arg0: i32) -> (i32, i32) {
    %c0_i32 = arith.constant 0 : i32
    %c0_i32_0 = arith.constant 0 : i32
    %c0_i32_1 = arith.constant 0 : i32
    return %c0_i32, %c0_i32_0 : i32, i32
  }
  func.func @transform_5(%arg0: i32) -> (i32, i32, i32, i32) {
    %c0_i32 = arith.constant 0 : i32
    %c0_i32_0 = arith.constant 0 : i32
    %c0_i32_1 = arith.constant 0 : i32
    %c0_i32_2 = arith.constant 0 : i32
    return %c0_i32, %arg0, %c0_i32_0, %c0_i32_1 : i32, i32, i32, i32
  }
}

</mosaic_0001>

<sc_bundles>
// kernel: kernel.6.cloned.1.call-start
scs
__scs_entry_jumppad:
0x0: {  	(pc) =	sbr.rel $0x88, $3  }
0x1: {  	(tag) =	ssettag $0x0;
	lr =	simm.s32 $0x1  }
0x2: {  	[smem:$0x3F9A] =	sst lr;
	_ =	strace $0xD0000000  }
0x3: {  	_ = 	snop  }
0x4: {  	_ = 	snop  }
0x5: {  	_ = 	snop  }
0x6: {  	_ = 	snop  }
0x7: {  	_ = 	snop  }
__scs_overlays_trampoline_lowered:
0x8: {  	[smem:$0x3FA9] =	sst s0  }
0x9: {  	[smem:$0x3FAA] =	sst s1  }
0xa: {  	[smem:$0x3FAB] =	sst s2  }
0xb: {  	[smem:$0x3FAC] =	sst s3  }
0xc: {  	[smem:$0x3FAD] =	sst s4  }
0xd: {  	[smem:$0x3FAE] =	sst s5  }
0xe: {  	[smem:$0x3FAF] =	sst s6  }
0xf: {  	[smem:$0x3FB0] =	sst s7  }
0x10: {  	[smem:$0x3FB1] =	sst s8  }
0x11: {  	[smem:$0x3FB2] =	sst s9;
	s0 =	simm.s32 @!p0 $0x0  }
0x12: {  	s1 =	sld [smem:$0x3F98];
	s0 =	simm.s32 @p0 $0x1  }
0x13: {  	[smem:$0x3FB3] =	sst s0;
	s0 =	simm.s32 @!p1 $0x0  }
0x14: {  	s2 =	sld [smem:$0x3F97];
	s0 =	simm.s32 @p1 $0x1  }
0x15: {  	[smem:$0x3FB4] =	sst s0;
	s0 =	simm.s32 @!p2 $0x0  }
0x16: {  	s3 =	sld [smem:$0x3FDB];
	s0 =	simm.s32 @p2 $0x1  }
0x17: {  	s4 =	simm.s32 $0x1BF5;
	[smem:$0x3FB6] =	sst s0  }
0x18: {  	s0 =	sld [smem:$0x3F99];
	_ =	swait.ge [sflag:s4], $0x0  }
0x19: {  	s7 =	sld [smem:$0x3F9A]  }
0x1a: {  	s8 =	sadd.s32 $0xFFFFE003, lr  }
0x1b: {  	s9 =	sadd.s32 $0xFFFFFEF7, lr;
	s5 =	simm.s32 $0xFFFFFFFF;
	p2 =	slt.u32 s8, $0xFFFFF086  }
0x1c: {  	p1 =	slt.u32 s9, $0xF7A;
	s5 =	simm.s32 @!p2 $0x0  }
0x1d: {  	s5 =	simm.s32 @p1 $0x1;
	p0 =	seq.s32 s7, s2  }
0x1e: {  	s7 =	smul.u32 @!p0 $0xF7A, s2;
	p2 =	seq.s32 @!p0 s5, $0x0  }
0x1f: {  	s9 =	smul.u32 $0xF7A, s1;
	s8 =	simm.s32 @!p0 $0x1BF5;
	p2 =	por !p2, p0  }
0x20: {  	[sflag:s8] =	ssyncset.s32 @!p0 $0xFFFFF086;
	s6 =	sadd.s32 @!p0 s3, s7;
	s7 =	simm.s32 @!p0 $0x108  }
0x21: {  	s3 =	sadd.s32 s3, s9;
	s6 =	sadd.s32 @!p0 $0x88, s6;
	s7 =	simm.s32 @p2 $0x1082  }
0x22: {  	[simem:s7], [sflag:s8] =	dma.local @!p0 [hbm:s6], $0xF7A  }
0x23: {  	s9 =	sor.u32 $0xD0000000, s2;
	s6 =	simm.s32 $0x108;
	_ =	swait.ge @!p0 [sflag:s8], $0x0  }
0x24: {  	s3 =	sadd.s32 $0x88, s3;
	s6 =	simm.s32 @!p1 $0x1082;
	[sflag:s4] =	ssyncset.s32 $0xFFFFF086  }
0x25: {  	[simem:s6], [sflag:s4] =	dma.local [hbm:s3], $0xF7A  }
0x26: {  	[smem:$0x3F9A] =	sst s1;
	(tag) =	ssettag s2;
	_ =	strace s9  }
0x27: {  	s1 =	sld [smem:$0x3FAA]  }
0x28: {  	s2 =	sld [smem:$0x3FAB]  }
0x29: {  	s4 =	sld [smem:$0x3FAD]  }
0x2a: {  	p0 =	seq.s32 s5, $0x0;
	s5 =	sld [smem:$0x3FAE]  }
0x2b: {  	s6 =	sld [smem:$0x3FAF]  }
0x2c: {  	s7 =	sld [smem:$0x3FB0]  }
0x2d: {  	s3 =	simm.s32 $0x108;
	s8 =	sld [smem:$0x3FB1]  }
0x2e: {  	s3 =	simm.s32 @!p0 $0x1082;
	s9 =	sld [smem:$0x3FB2]  }
0x2f: {  	lr =	sadd.s32 s0, s3;
	s0 =	sld [smem:$0x3FA9]  }
0x30: {  	s3 =	sld [smem:$0x3FAC]  }
0x31: {  	[smem:$0x3FB5] =	sst s10  }
0x32: {  	s10 =	sld [smem:$0x3FB3];
	_ =	sdelay $0x3  }
0x33: {  	p0 =	seq.s32 s10, $0x1;
	s10 =	sld [smem:$0x3FB5];
	_ =	sdelay $0x3  }
0x34: {  	[smem:$0x3FB5] =	sst s10  }
0x35: {  	s10 =	sld [smem:$0x3FB4];
	_ =	sdelay $0x3  }
0x36: {  	p1 =	seq.s32 s10, $0x1;
	s10 =	sld [smem:$0x3FB5];
	_ =	sdelay $0x3  }
0x37: {  	[smem:$0x3FB5] =	sst s10  }
0x38: {  	s10 =	sld [smem:$0x3FB6]  }
0x39: {  	_ = 	snop;
	(pc) =	sbr.ind lr, $3  }
0x3a: {  	_ = 	snop  }
0x3b: {  	_ = 	snop  }
0x3c: {  	p2 =	seq.s32 s10, $0x1;
	s10 =	sld [smem:$0x3FB5]  }
0x3d: {  	_ =	shalt  }
0x3e: {  	_ =	shalt  }
0x3f: {  	_ =	shalt  }
0x40: {  	_ =	shalt  }
0x41: {  	_ =	shalt  }
0x42: {  	_ =	shalt  }
0x43: {  	_ =	shalt  }
0x44: {  	_ =	shalt  }
0x45: {  	_ =	shalt  }
0x46: {  	_ =	shalt  }
0x47: {  	_ =	shalt  }
0x48: {  	_ =	shalt  }
0x49: {  	_ =	shalt  }
0x4a: {  	_ =	shalt  }
0x4b: {  	_ =	shalt  }
0x4c: {  	_ =	shalt  }
0x4d: {  	_ =	shalt  }
0x4e: {  	_ =	shalt  }
0x4f: {  	_ =	shalt  }
0x50: {  	_ =	shalt  }
0x51: {  	_ =	shalt  }
0x52: {  	_ =	shalt  }
0x53: {  	_ =	shalt  }
0x54: {  	_ =	shalt  }
0x55: {  	_ =	shalt  }
0x56: {  	_ =	shalt  }
0x57: {  	_ =	shalt  }
0x58: {  	_ =	shalt  }
0x59: {  	_ =	shalt  }
0x5a: {  	_ =	shalt  }
0x5b: {  	_ =	shalt  }
0x5c: {  	_ =	shalt  }
0x5d: {  	_ =	shalt  }
0x5e: {  	_ =	shalt  }
0x5f: {  	_ =	shalt  }
0x60: {  	_ =	shalt  }
0x61: {  	_ =	shalt  }
0x62: {  	_ =	shalt  }
0x63: {  	_ =	shalt  }
0x64: {  	_ =	shalt  }
0x65: {  	_ =	shalt  }
0x66: {  	_ =	shalt  }
0x67: {  	_ =	shalt  }
0x68: {  	_ =	shalt  }
0x69: {  	_ =	shalt  }
0x6a: {  	_ =	shalt  }
0x6b: {  	_ =	shalt  }
0x6c: {  	_ =	shalt  }
0x6d: {  	_ =	shalt  }
0x6e: {  	_ =	shalt  }
0x6f: {  	_ =	shalt  }
0x70: {  	_ =	shalt  }
0x71: {  	_ =	shalt  }
0x72: {  	_ =	shalt  }
0x73: {  	_ =	shalt  }
0x74: {  	_ =	shalt  }
0x75: {  	_ =	shalt  }
0x76: {  	_ =	shalt  }
0x77: {  	_ =	shalt  }
0x78: {  	_ =	shalt  }
0x79: {  	_ =	shalt  }
0x7a: {  	_ =	shalt  }
0x7b: {  	_ =	shalt  }
0x7c: {  	_ =	shalt  }
0x7d: {  	_ =	shalt  }
0x7e: {  	_ =	shalt  }
0x7f: {  	_ =	shalt  }
0x80: {  	_ =	shalt  }
0x81: {  	_ =	shalt  }
0x82: {  	_ =	shalt  }
0x83: {  	_ =	shalt  }
0x84: {  	_ =	shalt  }
0x85: {  	_ =	shalt  }
0x86: {  	_ =	shalt  }
0x87: {  	_ =	shalt  }
.Lfunc_end0:
.L_simem_size_0:
called_computation_lowered:
.L_overlay_start_0:
0x88: {  	s2 =	sld [smem:$0x3FD9]  }
0x89: {  	s3 =	sld [smem:$0x3FFE];
	_ =	sdelay $0x1  }
0x8a: {  	s1 =	srdreg.scid  }
0x8b: {  	s0 =	sand.u32 $0x1, s1  }
0x8c: {  	s17 =	sshll.u32 s0, $0xA;
	s2 =	sadd.s32 s3, s2  }
0x8d: {  	s2 =	sadd.s32 s2, s17  }
0x8e: {  	[smem:$0x3FC1] =	sst s2  }
0x8f: {  	_ = 	snop  }
0x90: {  	s2 =	sld [smem:$0x3FC6]  }
0x91: {  	s18 =	sld [smem:$0x3FD0];
	(tm) =	ssettm $0x1  }
0x92: {  	s4 =	sld [smem:$0x3FFB];
	_ =	sdelay $0x3  }
0x93: {  	_ =	strace s4  }
0x94: {  	s4 =	sld [smem:$0x3FFC];
	_ =	sdelay $0x3  }
0x95: {  	_ =	strace s4  }
0x96: {  	s4 =	sld [smem:$0x3FFD];
	_ =	sdelay $0x3  }
0x97: {  	_ =	strace s4  }
0x98: {  	_ =	strace $0x8FFFFFFF  }
0x99: {  	s19 =	sld [smem:$0x3FDB];
	_ =	sdelay $0x1  }
0x9a: {  	s5 =	simm.s32 $_scs_section_size  }
0x9b: {  	s6 =	simm.s32 $_size__tile_overlayer_lowered;
	s7 =	simm.s32 $_tile_overlayer_lowered  }
0x9c: {  	s22 =	simm.s32 $0x1BFF;
	s21 =	sshll.u32 s7, $0x1;
	s4 =	sadd.s32 s5, s19  }
0x9d: {  	s8 =	simm.s32 $0x0;
	s20 =	sshll.u32 s6, $0x1;
	s6 =	sadd.s32 s21, s4  }
0x9e: {  	[timem:s8], [sflag:s22] =	dma.local [hbm:s6], s20  }
0x9f: {  	_ =	swait.ge [sflag:s22], s20  }
0xa0: {  	s5 =	ssub.s32 $0x0, s20;
	[sflag:s22] =	ssyncset.done $0x0  }
0xa1: {  	[sflag:s22] =	ssyncadd.s32 s5;
	_ =	sdelay $0x1  }
0xa2: {  	s23 =	simm.s32 $0x1B8B  }
0xa3: {  	_ =	swait.ge [sflag:s23], $0x1  }
0xa4: {  	[sflag:s23] =	ssyncset.done $0x0  }
0xa5: {  	s25 =	simm.s32 $0x1B8E;
	s24 =	sld [smem:$0x3FFE];
	[sflag:s23] =	ssyncadd.s32 $0xFFFFFFFF  }
0xa6: {  	s26 =	simm.s32 $execute0_lowered;
	[smem:$0x3FD2] =	sst s25  }
0xa7: {  	s6 =	sshll.u32 s26, $0x1;
	_ =	strace $0x80000046;
	[dreg:$0x1] =	wrdreg $0xFFFFFFFF  }
0xa8: {  	s28 =	simm.s32 $_size_execute0_lowered;
	s4 =	sadd.s32 s4, s6;
	[dreg:$0x0] =	wrdreg $0x0  }
0xa9: {  	s6 =	sshll.u32 s28, $0x1;
	[dreg:$0x2] =	wrdreg s4  }
0xaa: {  	[dreg:$0x3] =	wrdreg s6  }
0xab: {  	[dreg:$0x4] =	wrdreg $0xC0  }
0xac: {  	_ =	task [dreg:s8], $0x5FFFF  }
0xad: {  	[dreg:$0x1] =	wrdreg $0xFFFFFFFF  }
0xae: {  	[dreg:$0x0] =	wrdreg $0x60  }
0xaf: {  	[dreg:$0x2] =	wrdreg s18  }
0xb0: {  	[dreg:$0x3] =	wrdreg s2  }
0xb1: {  	[dreg:$0x4] =	wrdreg s24  }
0xb2: {  	[dreg:$0x5] =	wrdreg $0x9  }
0xb3: {  	_ =	task.clear_ibuf [dreg:s8], $0x6FFFF;
	_ =	strace $0x90000046  }
0xb4: {  	s29 =	simm.s32 $0x9;
	_ =	strace $0x80000048  }
0xb5: {  	_ =	swait.ge [sflag:s29], $0x1  }
0xb6: {  	[sflag:s29] =	ssyncadd.s32 $0xFFFFFFFF  }
0xb7: {  	_ =	strace $0x90000048  }
0xb8: {  	_ =	sfence  }
0xb9: {  	s30 =	sld [smem:$0x0];
	_ =	sdelay $0x2  }
0xba: {  	s31 =	sshll.u32 s1, $0xD;
	s1 =	sshrl.u32 s1, $0x2  }
0xbb: {  	s3 =	sand.u32 $0x4000, s31;
	s1 =	sadd.s32 s1, s30  }
0xbc: {  	s0 =	sor.u32 s3, s0;
	s1 =	sshll.u32 s1, $0x11  }
0xbd: {  	s0 =	sor.u32 s1, s0  }
0xbe: {  	s0 =	sadd.s32 $0x8F2B, s0  }
0xbf: {  	[sflag:s0] =	ssyncadd.remote.s32 $0x1  }
0xc0: {  	_ =	sfence.sel $0xFFFF  }
0xc1: {  	[dreg:$0x0] =	wrdreg $0xFFFFFFFF;
	(pc) =	sbr.abs _section_cstart, $3  }
0xc2: {  	[dreg:$0x1] =	wrdreg $0xFFFFFFFF  }
0xc3: {  	_ =	task.clear_ibuf [dreg:s8], $0x2FFFF;
	_ =	strace $0x9FFFFFFF  }
0xc4: {  	(tm) =	ssettm $0x7FFFFFFF  }
0xc5: {  	_ =	shalt  }
tec
execute0_lowered:
.L_overlay_start_1:
0x0: {  	(tag) =	ssettag $0x1  }
0x1: {  	s1 =	rddreg [dreg:$0x0]  }
0x2: {  	s3 =	rddreg [dreg:$0x1]  }
0x3: {  	s2 =	srdreg.scid;
	s0 =	stileid.u32  }
0x4: {  	s6 =	rddreg [dreg:$0x2];
	s4 =	simm.s32 $0x0;
	s11 =	simm.s32 $0x1  }
0x5: {  	s12 =	simm.s32 $0x100;
	s13 =	simm.s32 $0x4000;
	s14 =	simm.s32 $0x2  }
0x6: {  	s15 =	simm.s32 $0x8000;
	s5 =	sand.u32 $0x1, s2;
	s7 =	sshll.u32 s0, $0x1  }
0x7: {  	s16 =	simm.s32 $0x3;
	s17 =	simm.s32 $0xC000;
	s7 =	sor.u32 s5, s7  }
0x8: {  	s18 =	simm.s32 $0x4;
	s8 =	ssub.s32 $0x2, s5;
	s5 =	smul.u32 $0x28000, s7  }
.Ltmp0:
0x9: {  	s19 =	simm.s32 $0x5;
	s2 =	rddreg [dreg:$0x3];
	(pc) =	sbr.rel .LBB2_1-.Ltmp0, $4  }
0xa: {  	s20 =	simm.s32 $0x0;
	[smem:$0x7FF] =	sst s4;
	s6 =	sadd.s32 $0xE00, s6  }
0xb: {  	_ =	strace $0x80000047;
	s31 =	sshrl.u32 s8, $0x1;
	s9 =	sshrl.u32 s5, $0x3  }
0xc: {  	s10 =	ssub.s32 s8, s31;
	s7 =	sadd.s32 s3, s9;
	s9 =	sadd.s32 s6, s9  }
0xd: {  	s8 =	sadd.s32 $0x800, s3;
	s10 =	smax.u32 s10, $0x1;
	s9 =	sadd.s32 $0x4800, s9  }
.LBB2_8:
0xe: {  	_ =	swait.ge [sflag:s16], $0x4000  }
0xf: {  	[sflag:s16] =	ssyncset.done $0x0  }
0x10: {  	s20 =	sadd.s32 $0x1, s20;
	[sflag:s16] =	ssyncadd.s32 $0xFFFFC000  }
0x11: {  	[hbm4b:s9+s4] =	stream.linear.scatter [tilespmem:s17], [sflag:$0x5], $0x4000, $0x38;
	[tilespmem:$0x10000] =	vst v63  }
0x12: {  	p0 =	sne.s32 s20, s10;
	_ =	swait.ge [sflag:s18], $0x4000  }
.Ltmp1:
0x13: {  	[sflag:s18] =	ssyncset.done $0x0;
	(pc) =	sbr.rel @!p0 .LBB2_9-.Ltmp1, $4  }
0x14: {  	[sflag:s18] =	ssyncadd.s32 $0xFFFFC000  }
0x15: {  	_ =	swait.ge [sflag:s19], $0x4000  }
0x16: {  	[sflag:s19] =	ssyncset.done $0x0  }
0x17: {  	[sflag:s19] =	ssyncadd.s32 $0xFFFFC000  }
.LBB2_1:
0x18: {  	[tilespmem:s4], [sflag:$0x1] =	stream.linear.gather [hbm4b:s7+s4], $0x4000, $0x38;
	[tilespmem:$0x10000] =	vst v63  }
0x19: {  	s21 =	simm.s32 $0x0  }
.LBB2_2:
0x1a: {  	_ =	swait.ge [sflag:s11], $0x4000  }
0x1b: {  	p0 =	seq.s32 s21, $0x0;
	[sflag:s11] =	ssyncset.done $0x0  }
0x1c: {  	s24 =	simm.s32 @!p0 $0x4;
	[sflag:s11] =	ssyncadd.s32 $0xFFFFC000  }
0x1d: {  	s22 =	sshll.u32 s21, $0xF;
	_ =	swait.ge @!p0 [sflag:s24], $0x4000  }
0x1e: {  	s25 =	simm.s32 $0x0;
	s26 =	simm.s32 $0x8000;
	[sflag:s24] =	ssyncset.done @!p0 $0x0  }
0x1f: {  	s23 =	sadd.s32 s5, s22;
	[sflag:s24] =	ssyncadd.s32 @!p0 $0xFFFFC000;
	s24 =	simm.s32 $0x400  }
.LBB2_3:
0x20: {  	[tilespmem:s26], [sflag:$0x2] =	stream.indirect.gather [hbm4b:s1+s12], $0x1, s25, s12, $0xb8;
	[tilespmem:$0x10000] =	vst v63  }
0x21: {  	s25 =	smov.u32 s24;
	p1 =	sne.s32 s24, $0xFC00  }
.Ltmp2:
0x22: {  	s24 =	sadd.s32 $0x400, s24;
	(pc) =	sbr.rel @p1 .LBB2_3-.Ltmp2, $3  }
0x23: {  	_ =	sdelay $0x1  }
0x24: {  	s25 =	sshra.s32 s25, $0x2  }
0x25: {  	s26 =	sadd.s32 $0x8000, s25  }
0x26: {  	[tilespmem:s26], [sflag:$0x2] =	stream.indirect.gather [hbm4b:s1+s12], $0x1, s25, s12, $0xb8;
	[tilespmem:$0x10000] =	vst v63  }
0x27: {  	s24 =	simm.s32 @!p0 $0x3  }
0x28: {  	_ =	swait.ge @!p0 [sflag:s24], $0x4000  }
0x29: {  	s25 =	sadd.s32 @!p0 $0xFFFFC000, s23;
	[sflag:s24] =	ssyncset.done @!p0 $0x0  }
0x2a: {  	s26 =	simm.s32 @!p0 $0xC000;
	[sflag:s24] =	ssyncadd.s32 @!p0 $0xFFFFC000;
	s24 =	sshrl.u32 @!p0 s25, $0x3  }
0x2b: {  	s31 =	sshrl.u32 s23, $0x3;
	s25 =	simm.s32 @!p0 $0x0;
	s24 =	sadd.s32 @!p0 s6, s24  }
0x2c: {  	[hbm4b:s24+s25] =	stream.linear.scatter @!p0 [tilespmem:s26], [sflag:$0x5], $0x4000, $0x38;
	[tilespmem:$0x10000] =	vst v63  }
0x2d: {  	s23 =	sadd.s32 s31, s8  }
0x2e: {  	[tilespmem:s13], [sflag:$0x1] =	stream.linear.gather [hbm4b:s23+s4], $0x4000, $0x38;
	[tilespmem:$0x10000] =	vst v63  }
0x2f: {  	_ =	swait.ge [sflag:s11], $0x4000  }
0x30: {  	[sflag:s11] =	ssyncset.done $0x0  }
0x31: {  	s23 =	simm.s32 @!p0 $0x5;
	[sflag:s11] =	ssyncadd.s32 $0xFFFFC000  }
0x32: {  	s22 =	sadd.s32 s22, s5;
	_ =	swait.ge @!p0 [sflag:s23], $0x4000  }
0x33: {  	s22 =	sadd.s32 $0x4000, s22;
	s24 =	simm.s32 $0xC000;
	[sflag:s23] =	ssyncset.done @!p0 $0x0  }
0x34: {  	s25 =	simm.s32 $0x4000;
	[sflag:s23] =	ssyncadd.s32 @!p0 $0xFFFFC000;
	s23 =	simm.s32 $0x400  }
.LBB2_5:
0x35: {  	[tilespmem:s24], [sflag:$0x3] =	stream.indirect.gather [hbm4b:s1+s12], $0x1, s25, s12, $0xb8;
	[tilespmem:$0x10000] =	vst v63  }
0x36: {  	s24 =	smov.u32 s23;
	p0 =	sne.s32 s23, $0xFC00  }
.Ltmp3:
0x37: {  	s23 =	sadd.s32 $0x400, s23;
	(pc) =	sbr.rel @p0 .LBB2_5-.Ltmp3, $3  }
0x38: {  	_ =	sdelay $0x1  }
0x39: {  	s25 =	sshra.s32 s24, $0x2  }
0x3a: {  	s24 =	sadd.s32 $0xC000, s25;
	s25 =	sadd.s32 $0x4000, s25  }
0x3b: {  	[tilespmem:s24], [sflag:$0x3] =	stream.indirect.gather [hbm4b:s1+s12], $0x1, s25, s12, $0xb8;
	[tilespmem:$0x10000] =	vst v63  }
0x3c: {  	p0 =	seq.s32 s21, $0x4  }
.Ltmp4:
0x3d: {  	_ = 	snop;
	(pc) =	sbr.rel @p0 .LBB2_8-.Ltmp4, $4  }
0x3e: {  	s23 =	sadd.s32 $0xFFFFC000, s22;
	_ =	swait.ge [sflag:s14], $0x4000  }
0x3f: {  	s23 =	sshrl.u32 s23, $0x3;
	[sflag:s14] =	ssyncset.done $0x0  }
0x40: {  	s23 =	sadd.s32 s6, s23;
	[sflag:s14] =	ssyncadd.s32 $0xFFFFC000  }
0x41: {  	[hbm4b:s23+s4] =	stream.linear.scatter [tilespmem:s15], [sflag:$0x4], $0x4000, $0x38;
	[tilespmem:$0x10000] =	vst v63  }
.Ltmp5:
0x42: {  	(pc) =	sbr.rel .LBB2_2-.Ltmp5, $4  }
0x43: {  	s22 =	sshrl.u32 s22, $0x3  }
0x44: {  	s22 =	sadd.s32 s3, s22  }
0x45: {  	s21 =	sadd.s32 $0x1, s21;
	s22 =	sadd.s32 $0x800, s22  }
0x46: {  	[tilespmem:s4], [sflag:$0x1] =	stream.linear.gather [hbm4b:s22+s4], $0x4000, $0x38;
	[tilespmem:$0x10000] =	vst v63  }
.LBB2_9:
0x47: {  	_ =	sfence.sel $0x180000  }
0x48: {  	[bflag:$0x0] =	sbarrier.arrive $0xFFFF  }
0x49: {  	p0 =	sne.s32 s0, $0x0;
	_ =	strace $0x90000047  }
0x4a: {  	s0 =	sadd.s32 @!p0 $0x100000, s2;
	[bflag:$0x2] =	sbarrier.arrive $0xFFFF  }
0x4b: {  	[sflag:s0] =	ssyncadd.tile.s32 @!p0 $0x1;
	_ =	shalt  }
.Lfunc_end2:
_tile_overlayer_lowered:
.L_overlay_start_2:
0x4c: {  	(tag) =	ssettag $0x2  }
0x4d: {  	s0 =	rddreg [dreg:$0x0];
	s2 =	stileid.u32  }
0x4e: {  	s1 =	rddreg [dreg:$0x1];
	p0 =	sne.s32 s2, $0x0  }
0x4f: {  	s3 =	rddreg [dreg:$0x2];
	[bflag:$0x3] =	sbarrier.arrive $0xFFFF;
	s2 =	simm.s32 @!p0 $0x1C06  }
0x50: {  	[timem:s3], [sflag:s2] =	dma.local @!p0 [hbm:s0], s1  }
0x51: {  	s0 =	simm.s32 @!p0 $0x6  }
0x52: {  	_ =	swait.ge @!p0 [sflag:s0], s1  }
0x53: {  	s1 =	ssub.s32 @!p0 $0x0, s1;
	[sflag:s0] =	ssyncset.done @!p0 $0x0  }
0x54: {  	[sflag:s0] =	ssyncadd.s32 @!p0 s1  }
0x55: {  	[bflag:$0x3] =	sbarrier.arrive $0xFFFF  }
0x56: {  	_ =	shalt  }

</sc_bundles>
